<compile_context>
chip_gen: v7x
topology: tpu7x:2x2x1
jax: 0.10.2.dev20260603
libtpu: 0.0.44.dev20260713+nightly
codegen_flags: <defaults>
</compile_context>

<pallas_src>
import functools

import jax
import jax.numpy as jnp
from jax import lax
from jax.experimental import pallas as pl
from jax.experimental.pallas import tpu as pltpu
from jax.experimental.pallas import tpu_sc as plsc

_B, _T, _D = 8, 4096, 1024


def _take_last_scs(x_hbm, seq_hbm, out_hbm, seq_s, sem):
    cid = lax.axis_index("c")

    @pl.when(cid == 0)
    def _():
        pltpu.sync_copy(seq_hbm, seq_s)
        copies = []
        for b in range(_B):
            row = (seq_s[b] - 1) & jnp.int32(_T - 1)
            copies.append(
                pltpu.async_copy(
                    x_hbm.at[b, pl.ds(row, 1)], out_hbm.at[pl.ds(b, 1)], sem
                )
            )
        for c in copies:
            c.wait()


@jax.jit
def kernel(x, seq_len):
    seq = seq_len.astype(jnp.int32)
    mesh = plsc.ScalarSubcoreMesh(axis_name="c", num_cores=1)
    run = functools.partial(
        pl.kernel,
        mesh=mesh,
        out_type=jax.ShapeDtypeStruct((_B, _D), jnp.float32),
        scratch_types=[pltpu.SMEM((_B,), jnp.int32), pltpu.SemaphoreType.DMA],
        compiler_params=pltpu.CompilerParams(skip_device_barrier=True),
    )(_take_last_scs)
    return run(x, seq)

# --- scband reference (transcript-rebuilt; emitter-appended) ---
"""Pipeline reference for scband-take-last-53944789238241 (READ-ONLY COPY).

The authoritative reference and input builder live on the scoring server;
editing this copy changes nothing except your own understanding.
"""

import jax, jax.numpy as jnp
import numpy as np


def setup_inputs(seed: int = 0) -> dict:
    key = jax.random.key(seed)
    k1, k2 = jax.random.split(key)
    x = jax.random.normal(k1, (8, 4096, 1024), dtype=jnp.float32)
    seq_len = jax.random.randint(k2, (8,), 0, 4096, dtype=jnp.int64 if jax.config.jax_enable_x64 else jnp.int32)
    return {"x": x, "seq_len": seq_len}


def reference(x, seq_len):
    # TakeLast with n=1 and seq_len provided:
    #   return x[torch.arange(b), seq_len - 1]
    b = x.shape[0]
    return x[jnp.arange(b), seq_len - 1]

if __name__ == "__main__":
    import jax
    _d = setup_inputs()
    print(jax.jit(kernel)(*tuple(_d.values())))

</pallas_src>

<mosaic_0001>
#map = affine_map<(d0) -> (0, 0, 0)>
#map1 = affine_map<(d0) -> (0)>
#map2 = affine_map<(d0) -> (0, 0)>
module attributes {stable_mosaic.version = 14 : i64} {
  func.func @_take_last_scs(%arg0: i32, %arg1: memref<8x4096x1024xf32, #tpu.memory_space<hbm>>, %arg2: memref<8xi32, #tpu.memory_space<hbm>>, %arg3: memref<8x1024xf32, #tpu.memory_space<hbm>>, %arg4: memref<8xi32, #tpu.memory_space<smem>>, %arg5: memref<!tpu.dma_semaphore, #tpu.memory_space<semaphore_mem>>) attributes {dimension_semantics = [#tpu.dimension_semantics<core_parallel>], iteration_bounds = array<i64: 1>, scalar_prefetch = 0 : i64, scratch_operands = 2 : i64, tpu.core_type = #tpu.core_type<sc_scalar_subcore>, window_params = [{transform_indices = #map}, {transform_indices = #map1}, {transform_indices = #map2}]} {
    %eq3A = arith.constant 0 : i32
    %eq3A_0 = arith.cmpi eq, %arg0, %eq3A : i32
    %convert_element_type3A = arith.extui %eq3A_0 : i1 to i32
    %cond3A = arith.constant 0 : i32
    %cond3A_1 = arith.cmpi ne, %convert_element_type3A, %cond3A : i32
    scf.if %cond3A_1 {
      "tpu.region"() ({
        %run_scoped3A = tpu.sem_alloc : memref<!tpu.dma_semaphore, #tpu.memory_space<semaphore_mem>>
        tpu.enqueue_dma source(%arg2 : memref<8xi32, #tpu.memory_space<hbm>>) target(%arg4 : memref<8xi32, #tpu.memory_space<smem>>) target_semaphore(%run_scoped3A : memref<!tpu.dma_semaphore, #tpu.memory_space<semaphore_mem>>)
        tpu.wait_dma2 semaphore(%run_scoped3A : memref<!tpu.dma_semaphore, #tpu.memory_space<semaphore_mem>>) src(%arg2 : memref<8xi32, #tpu.memory_space<hbm>>) dst(%arg4 : memref<8xi32, #tpu.memory_space<smem>>)
        tpu.yield
      }) : () -> ()
      %get3A = arith.constant 0 : i32
      %get3A_2 = arith.index_cast %get3A : i32 to index
      %get3A_3 = memref.load %arg4[%get3A_2] : memref<8xi32, #tpu.memory_space<smem>>
      %sub3A = arith.constant 1 : i32
      %sub3A_4 = arith.subi %get3A_3, %sub3A : i32
      %and3A = arith.constant 4095 : i32
      %and3A_5 = arith.andi %sub3A_4, %and3A : i32
      %dma_start3A = arith.constant 0 : i32
      %dma_start3A_6 = arith.constant 0 : i32
      %dma_start3A_7 = arith.constant 0 : i32
      %dma_start3A_8 = tpu.memref_slice %arg3[%dma_start3A_6, %dma_start3A_7] : memref<8x1024xf32, #tpu.memory_space<hbm>> -> memref<1x1024xf32, #tpu.memory_space<hbm>>
      %dma_start3A_9 = arith.constant 0 : i32
      %dma_start3A_10 = tpu.memref_slice %arg1[%dma_start3A, %and3A_5, %dma_start3A_9] : memref<8x4096x1024xf32, #tpu.memory_space<hbm>> -> memref<1x1x1024xf32, #tpu.memory_space<hbm>>
      %dma_start3A_11 = tpu.memref_squeeze %dma_start3A_10 : memref<1x1x1024xf32, #tpu.memory_space<hbm>> -> memref<1x1024xf32, #tpu.memory_space<hbm>>
      tpu.enqueue_dma source(%dma_start3A_11 : memref<1x1024xf32, #tpu.memory_space<hbm>>) target(%dma_start3A_8 : memref<1x1024xf32, #tpu.memory_space<hbm>>) target_semaphore(%arg5 : memref<!tpu.dma_semaphore, #tpu.memory_space<semaphore_mem>>)
      %get3A_12 = arith.constant 1 : i32
      %get3A_13 = arith.index_cast %get3A_12 : i32 to index
      %get3A_14 = memref.load %arg4[%get3A_13] : memref<8xi32, #tpu.memory_space<smem>>
      %sub3A_15 = arith.constant 1 : i32
      %sub3A_16 = arith.subi %get3A_14, %sub3A_15 : i32
      %and3A_17 = arith.constant 4095 : i32
      %and3A_18 = arith.andi %sub3A_16, %and3A_17 : i32
      %dma_start3A_19 = arith.constant 1 : i32
      %dma_start3A_20 = arith.constant 1 : i32
      %dma_start3A_21 = arith.constant 0 : i32
      %dma_start3A_22 = tpu.memref_slice %arg3[%dma_start3A_20, %dma_start3A_21] : memref<8x1024xf32, #tpu.memory_space<hbm>> -> memref<1x1024xf32, #tpu.memory_space<hbm>>
      %dma_start3A_23 = arith.constant 0 : i32
      %dma_start3A_24 = tpu.memref_slice %arg1[%dma_start3A_19, %and3A_18, %dma_start3A_23] : memref<8x4096x1024xf32, #tpu.memory_space<hbm>> -> memref<1x1x1024xf32, #tpu.memory_space<hbm>>
      %dma_start3A_25 = tpu.memref_squeeze %dma_start3A_24 : memref<1x1x1024xf32, #tpu.memory_space<hbm>> -> memref<1x1024xf32, #tpu.memory_space<hbm>>
      tpu.enqueue_dma source(%dma_start3A_25 : memref<1x1024xf32, #tpu.memory_space<hbm>>) target(%dma_start3A_22 : memref<1x1024xf32, #tpu.memory_space<hbm>>) target_semaphore(%arg5 : memref<!tpu.dma_semaphore, #tpu.memory_space<semaphore_mem>>)
      %get3A_26 = arith.constant 2 : i32
      %get3A_27 = arith.index_cast %get3A_26 : i32 to index
      %get3A_28 = memref.load %arg4[%get3A_27] : memref<8xi32, #tpu.memory_space<smem>>
      %sub3A_29 = arith.constant 1 : i32
      %sub3A_30 = arith.subi %get3A_28, %sub3A_29 : i32
      %and3A_31 = arith.constant 4095 : i32
      %and3A_32 = arith.andi %sub3A_30, %and3A_31 : i32
      %dma_start3A_33 = arith.constant 2 : i32
      %dma_start3A_34 = arith.constant 2 : i32
      %dma_start3A_35 = arith.constant 0 : i32
      %dma_start3A_36 = tpu.memref_slice %arg3[%dma_start3A_34, %dma_start3A_35] : memref<8x1024xf32, #tpu.memory_space<hbm>> -> memref<1x1024xf32, #tpu.memory_space<hbm>>
      %dma_start3A_37 = arith.constant 0 : i32
      %dma_start3A_38 = tpu.memref_slice %arg1[%dma_start3A_33, %and3A_32, %dma_start3A_37] : memref<8x4096x1024xf32, #tpu.memory_space<hbm>> -> memref<1x1x1024xf32, #tpu.memory_space<hbm>>
      %dma_start3A_39 = tpu.memref_squeeze %dma_start3A_38 : memref<1x1x1024xf32, #tpu.memory_space<hbm>> -> memref<1x1024xf32, #tpu.memory_space<hbm>>
      tpu.enqueue_dma source(%dma_start3A_39 : memref<1x1024xf32, #tpu.memory_space<hbm>>) target(%dma_start3A_36 : memref<1x1024xf32, #tpu.memory_space<hbm>>) target_semaphore(%arg5 : memref<!tpu.dma_semaphore, #tpu.memory_space<semaphore_mem>>)
      %get3A_40 = arith.constant 3 : i32
      %get3A_41 = arith.index_cast %get3A_40 : i32 to index
      %get3A_42 = memref.load %arg4[%get3A_41] : memref<8xi32, #tpu.memory_space<smem>>
      %sub3A_43 = arith.constant 1 : i32
      %sub3A_44 = arith.subi %get3A_42, %sub3A_43 : i32
      %and3A_45 = arith.constant 4095 : i32
      %and3A_46 = arith.andi %sub3A_44, %and3A_45 : i32
      %dma_start3A_47 = arith.constant 3 : i32
      %dma_start3A_48 = arith.constant 3 : i32
      %dma_start3A_49 = arith.constant 0 : i32
      %dma_start3A_50 = tpu.memref_slice %arg3[%dma_start3A_48, %dma_start3A_49] : memref<8x1024xf32, #tpu.memory_space<hbm>> -> memref<1x1024xf32, #tpu.memory_space<hbm>>
      %dma_start3A_51 = arith.constant 0 : i32
      %dma_start3A_52 = tpu.memref_slice %arg1[%dma_start3A_47, %and3A_46, %dma_start3A_51] : memref<8x4096x1024xf32, #tpu.memory_space<hbm>> -> memref<1x1x1024xf32, #tpu.memory_space<hbm>>
      %dma_start3A_53 = tpu.memref_squeeze %dma_start3A_52 : memref<1x1x1024xf32, #tpu.memory_space<hbm>> -> memref<1x1024xf32, #tpu.memory_space<hbm>>
      tpu.enqueue_dma source(%dma_start3A_53 : memref<1x1024xf32, #tpu.memory_space<hbm>>) target(%dma_start3A_50 : memref<1x1024xf32, #tpu.memory_space<hbm>>) target_semaphore(%arg5 : memref<!tpu.dma_semaphore, #tpu.memory_space<semaphore_mem>>)
      %get3A_54 = arith.constant 4 : i32
      %get3A_55 = arith.index_cast %get3A_54 : i32 to index
      %get3A_56 = memref.load %arg4[%get3A_55] : memref<8xi32, #tpu.memory_space<smem>>
      %sub3A_57 = arith.constant 1 : i32
      %sub3A_58 = arith.subi %get3A_56, %sub3A_57 : i32
      %and3A_59 = arith.constant 4095 : i32
      %and3A_60 = arith.andi %sub3A_58, %and3A_59 : i32
      %dma_start3A_61 = arith.constant 4 : i32
      %dma_start3A_62 = arith.constant 4 : i32
      %dma_start3A_63 = arith.constant 0 : i32
      %dma_start3A_64 = tpu.memref_slice %arg3[%dma_start3A_62, %dma_start3A_63] : memref<8x1024xf32, #tpu.memory_space<hbm>> -> memref<1x1024xf32, #tpu.memory_space<hbm>>
      %dma_start3A_65 = arith.constant 0 : i32
      %dma_start3A_66 = tpu.memref_slice %arg1[%dma_start3A_61, %and3A_60, %dma_start3A_65] : memref<8x4096x1024xf32, #tpu.memory_space<hbm>> -> memref<1x1x1024xf32, #tpu.memory_space<hbm>>
      %dma_start3A_67 = tpu.memref_squeeze %dma_start3A_66 : memref<1x1x1024xf32, #tpu.memory_space<hbm>> -> memref<1x1024xf32, #tpu.memory_space<hbm>>
      tpu.enqueue_dma source(%dma_start3A_67 : memref<1x1024xf32, #tpu.memory_space<hbm>>) target(%dma_start3A_64 : memref<1x1024xf32, #tpu.memory_space<hbm>>) target_semaphore(%arg5 : memref<!tpu.dma_semaphore, #tpu.memory_space<semaphore_mem>>)
      %get3A_68 = arith.constant 5 : i32
      %get3A_69 = arith.index_cast %get3A_68 : i32 to index
      %get3A_70 = memref.load %arg4[%get3A_69] : memref<8xi32, #tpu.memory_space<smem>>
      %sub3A_71 = arith.constant 1 : i32
      %sub3A_72 = arith.subi %get3A_70, %sub3A_71 : i32
      %and3A_73 = arith.constant 4095 : i32
      %and3A_74 = arith.andi %sub3A_72, %and3A_73 : i32
      %dma_start3A_75 = arith.constant 5 : i32
      %dma_start3A_76 = arith.constant 5 : i32
      %dma_start3A_77 = arith.constant 0 : i32
      %dma_start3A_78 = tpu.memref_slice %arg3[%dma_start3A_76, %dma_start3A_77] : memref<8x1024xf32, #tpu.memory_space<hbm>> -> memref<1x1024xf32, #tpu.memory_space<hbm>>
      %dma_start3A_79 = arith.constant 0 : i32
      %dma_start3A_80 = tpu.memref_slice %arg1[%dma_start3A_75, %and3A_74, %dma_start3A_79] : memref<8x4096x1024xf32, #tpu.memory_space<hbm>> -> memref<1x1x1024xf32, #tpu.memory_space<hbm>>
      %dma_start3A_81 = tpu.memref_squeeze %dma_start3A_80 : memref<1x1x1024xf32, #tpu.memory_space<hbm>> -> memref<1x1024xf32, #tpu.memory_space<hbm>>
      tpu.enqueue_dma source(%dma_start3A_81 : memref<1x1024xf32, #tpu.memory_space<hbm>>) target(%dma_start3A_78 : memref<1x1024xf32, #tpu.memory_space<hbm>>) target_semaphore(%arg5 : memref<!tpu.dma_semaphore, #tpu.memory_space<semaphore_mem>>)
      %get3A_82 = arith.constant 6 : i32
      %get3A_83 = arith.index_cast %get3A_82 : i32 to index
      %get3A_84 = memref.load %arg4[%get3A_83] : memref<8xi32, #tpu.memory_space<smem>>
      %sub3A_85 = arith.constant 1 : i32
      %sub3A_86 = arith.subi %get3A_84, %sub3A_85 : i32
      %and3A_87 = arith.constant 4095 : i32
      %and3A_88 = arith.andi %sub3A_86, %and3A_87 : i32
      %dma_start3A_89 = arith.constant 6 : i32
      %dma_start3A_90 = arith.constant 6 : i32
      %dma_start3A_91 = arith.constant 0 : i32
      %dma_start3A_92 = tpu.memref_slice %arg3[%dma_start3A_90, %dma_start3A_91] : memref<8x1024xf32, #tpu.memory_space<hbm>> -> memref<1x1024xf32, #tpu.memory_space<hbm>>
      %dma_start3A_93 = arith.constant 0 : i32
      %dma_start3A_94 = tpu.memref_slice %arg1[%dma_start3A_89, %and3A_88, %dma_start3A_93] : memref<8x4096x1024xf32, #tpu.memory_space<hbm>> -> memref<1x1x1024xf32, #tpu.memory_space<hbm>>
      %dma_start3A_95 = tpu.memref_squeeze %dma_start3A_94 : memref<1x1x1024xf32, #tpu.memory_space<hbm>> -> memref<1x1024xf32, #tpu.memory_space<hbm>>
      tpu.enqueue_dma source(%dma_start3A_95 : memref<1x1024xf32, #tpu.memory_space<hbm>>) target(%dma_start3A_92 : memref<1x1024xf32, #tpu.memory_space<hbm>>) target_semaphore(%arg5 : memref<!tpu.dma_semaphore, #tpu.memory_space<semaphore_mem>>)
      %get3A_96 = arith.constant 7 : i32
      %get3A_97 = arith.index_cast %get3A_96 : i32 to index
      %get3A_98 = memref.load %arg4[%get3A_97] : memref<8xi32, #tpu.memory_space<smem>>
      %sub3A_99 = arith.constant 1 : i32
      %sub3A_100 = arith.subi %get3A_98, %sub3A_99 : i32
      %and3A_101 = arith.constant 4095 : i32
      %and3A_102 = arith.andi %sub3A_100, %and3A_101 : i32
      %dma_start3A_103 = arith.constant 7 : i32
      %dma_start3A_104 = arith.constant 7 : i32
      %dma_start3A_105 = arith.constant 0 : i32
      %dma_start3A_106 = tpu.memref_slice %arg3[%dma_start3A_104, %dma_start3A_105] : memref<8x1024xf32, #tpu.memory_space<hbm>> -> memref<1x1024xf32, #tpu.memory_space<hbm>>
      %dma_start3A_107 = arith.constant 0 : i32
      %dma_start3A_108 = tpu.memref_slice %arg1[%dma_start3A_103, %and3A_102, %dma_start3A_107] : memref<8x4096x1024xf32, #tpu.memory_space<hbm>> -> memref<1x1x1024xf32, #tpu.memory_space<hbm>>
      %dma_start3A_109 = tpu.memref_squeeze %dma_start3A_108 : memref<1x1x1024xf32, #tpu.memory_space<hbm>> -> memref<1x1024xf32, #tpu.memory_space<hbm>>
      tpu.enqueue_dma source(%dma_start3A_109 : memref<1x1024xf32, #tpu.memory_space<hbm>>) target(%dma_start3A_106 : memref<1x1024xf32, #tpu.memory_space<hbm>>) target_semaphore(%arg5 : memref<!tpu.dma_semaphore, #tpu.memory_space<semaphore_mem>>)
      %dma_wait3A = arith.constant 0 : i32
      %dma_wait3A_110 = arith.constant 0 : i32
      %dma_wait3A_111 = arith.constant 0 : i32
      %dma_wait3A_112 = tpu.memref_slice %arg3[%dma_wait3A_110, %dma_wait3A_111] : memref<8x1024xf32, #tpu.memory_space<hbm>> -> memref<1x1024xf32, #tpu.memory_space<hbm>>
      %dma_wait3A_113 = arith.constant 0 : i32
      %dma_wait3A_114 = tpu.memref_slice %arg1[%dma_wait3A, %and3A_5, %dma_wait3A_113] : memref<8x4096x1024xf32, #tpu.memory_space<hbm>> -> memref<1x1x1024xf32, #tpu.memory_space<hbm>>
      %dma_wait3A_115 = tpu.memref_squeeze %dma_wait3A_114 : memref<1x1x1024xf32, #tpu.memory_space<hbm>> -> memref<1x1024xf32, #tpu.memory_space<hbm>>
      tpu.wait_dma2 semaphore(%arg5 : memref<!tpu.dma_semaphore, #tpu.memory_space<semaphore_mem>>) src(%dma_wait3A_115 : memref<1x1024xf32, #tpu.memory_space<hbm>>) dst(%dma_wait3A_112 : memref<1x1024xf32, #tpu.memory_space<hbm>>)
      %dma_wait3A_116 = arith.constant 1 : i32
      %dma_wait3A_117 = arith.constant 1 : i32
      %dma_wait3A_118 = arith.constant 0 : i32
      %dma_wait3A_119 = tpu.memref_slice %arg3[%dma_wait3A_117, %dma_wait3A_118] : memref<8x1024xf32, #tpu.memory_space<hbm>> -> memref<1x1024xf32, #tpu.memory_space<hbm>>
      %dma_wait3A_120 = arith.constant 0 : i32
      %dma_wait3A_121 = tpu.memref_slice %arg1[%dma_wait3A_116, %and3A_18, %dma_wait3A_120] : memref<8x4096x1024xf32, #tpu.memory_space<hbm>> -> memref<1x1x1024xf32, #tpu.memory_space<hbm>>
      %dma_wait3A_122 = tpu.memref_squeeze %dma_wait3A_121 : memref<1x1x1024xf32, #tpu.memory_space<hbm>> -> memref<1x1024xf32, #tpu.memory_space<hbm>>
      tpu.wait_dma2 semaphore(%arg5 : memref<!tpu.dma_semaphore, #tpu.memory_space<semaphore_mem>>) src(%dma_wait3A_122 : memref<1x1024xf32, #tpu.memory_space<hbm>>) dst(%dma_wait3A_119 : memref<1x1024xf32, #tpu.memory_space<hbm>>)
      %dma_wait3A_123 = arith.constant 2 : i32
      %dma_wait3A_124 = arith.constant 2 : i32
      %dma_wait3A_125 = arith.constant 0 : i32
      %dma_wait3A_126 = tpu.memref_slice %arg3[%dma_wait3A_124, %dma_wait3A_125] : memref<8x1024xf32, #tpu.memory_space<hbm>> -> memref<1x1024xf32, #tpu.memory_space<hbm>>
      %dma_wait3A_127 = arith.constant 0 : i32
      %dma_wait3A_128 = tpu.memref_slice %arg1[%dma_wait3A_123, %and3A_32, %dma_wait3A_127] : memref<8x4096x1024xf32, #tpu.memory_space<hbm>> -> memref<1x1x1024xf32, #tpu.memory_space<hbm>>
      %dma_wait3A_129 = tpu.memref_squeeze %dma_wait3A_128 : memref<1x1x1024xf32, #tpu.memory_space<hbm>> -> memref<1x1024xf32, #tpu.memory_space<hbm>>
      tpu.wait_dma2 semaphore(%arg5 : memref<!tpu.dma_semaphore, #tpu.memory_space<semaphore_mem>>) src(%dma_wait3A_129 : memref<1x1024xf32, #tpu.memory_space<hbm>>) dst(%dma_wait3A_126 : memref<1x1024xf32, #tpu.memory_space<hbm>>)
      %dma_wait3A_130 = arith.constant 3 : i32
      %dma_wait3A_131 = arith.constant 3 : i32
      %dma_wait3A_132 = arith.constant 0 : i32
      %dma_wait3A_133 = tpu.memref_slice %arg3[%dma_wait3A_131, %dma_wait3A_132] : memref<8x1024xf32, #tpu.memory_space<hbm>> -> memref<1x1024xf32, #tpu.memory_space<hbm>>
      %dma_wait3A_134 = arith.constant 0 : i32
      %dma_wait3A_135 = tpu.memref_slice %arg1[%dma_wait3A_130, %and3A_46, %dma_wait3A_134] : memref<8x4096x1024xf32, #tpu.memory_space<hbm>> -> memref<1x1x1024xf32, #tpu.memory_space<hbm>>
      %dma_wait3A_136 = tpu.memref_squeeze %dma_wait3A_135 : memref<1x1x1024xf32, #tpu.memory_space<hbm>> -> memref<1x1024xf32, #tpu.memory_space<hbm>>
      tpu.wait_dma2 semaphore(%arg5 : memref<!tpu.dma_semaphore, #tpu.memory_space<semaphore_mem>>) src(%dma_wait3A_136 : memref<1x1024xf32, #tpu.memory_space<hbm>>) dst(%dma_wait3A_133 : memref<1x1024xf32, #tpu.memory_space<hbm>>)
      %dma_wait3A_137 = arith.constant 4 : i32
      %dma_wait3A_138 = arith.constant 4 : i32
      %dma_wait3A_139 = arith.constant 0 : i32
      %dma_wait3A_140 = tpu.memref_slice %arg3[%dma_wait3A_138, %dma_wait3A_139] : memref<8x1024xf32, #tpu.memory_space<hbm>> -> memref<1x1024xf32, #tpu.memory_space<hbm>>
      %dma_wait3A_141 = arith.constant 0 : i32
      %dma_wait3A_142 = tpu.memref_slice %arg1[%dma_wait3A_137, %and3A_60, %dma_wait3A_141] : memref<8x4096x1024xf32, #tpu.memory_space<hbm>> -> memref<1x1x1024xf32, #tpu.memory_space<hbm>>
      %dma_wait3A_143 = tpu.memref_squeeze %dma_wait3A_142 : memref<1x1x1024xf32, #tpu.memory_space<hbm>> -> memref<1x1024xf32, #tpu.memory_space<hbm>>
      tpu.wait_dma2 semaphore(%arg5 : memref<!tpu.dma_semaphore, #tpu.memory_space<semaphore_mem>>) src(%dma_wait3A_143 : memref<1x1024xf32, #tpu.memory_space<hbm>>) dst(%dma_wait3A_140 : memref<1x1024xf32, #tpu.memory_space<hbm>>)
      %dma_wait3A_144 = arith.constant 5 : i32
      %dma_wait3A_145 = arith.constant 5 : i32
      %dma_wait3A_146 = arith.constant 0 : i32
      %dma_wait3A_147 = tpu.memref_slice %arg3[%dma_wait3A_145, %dma_wait3A_146] : memref<8x1024xf32, #tpu.memory_space<hbm>> -> memref<1x1024xf32, #tpu.memory_space<hbm>>
      %dma_wait3A_148 = arith.constant 0 : i32
      %dma_wait3A_149 = tpu.memref_slice %arg1[%dma_wait3A_144, %and3A_74, %dma_wait3A_148] : memref<8x4096x1024xf32, #tpu.memory_space<hbm>> -> memref<1x1x1024xf32, #tpu.memory_space<hbm>>
      %dma_wait3A_150 = tpu.memref_squeeze %dma_wait3A_149 : memref<1x1x1024xf32, #tpu.memory_space<hbm>> -> memref<1x1024xf32, #tpu.memory_space<hbm>>
      tpu.wait_dma2 semaphore(%arg5 : memref<!tpu.dma_semaphore, #tpu.memory_space<semaphore_mem>>) src(%dma_wait3A_150 : memref<1x1024xf32, #tpu.memory_space<hbm>>) dst(%dma_wait3A_147 : memref<1x1024xf32, #tpu.memory_space<hbm>>)
      %dma_wait3A_151 = arith.constant 6 : i32
      %dma_wait3A_152 = arith.constant 6 : i32
      %dma_wait3A_153 = arith.constant 0 : i32
      %dma_wait3A_154 = tpu.memref_slice %arg3[%dma_wait3A_152, %dma_wait3A_153] : memref<8x1024xf32, #tpu.memory_space<hbm>> -> memref<1x1024xf32, #tpu.memory_space<hbm>>
      %dma_wait3A_155 = arith.constant 0 : i32
      %dma_wait3A_156 = tpu.memref_slice %arg1[%dma_wait3A_151, %and3A_88, %dma_wait3A_155] : memref<8x4096x1024xf32, #tpu.memory_space<hbm>> -> memref<1x1x1024xf32, #tpu.memory_space<hbm>>
      %dma_wait3A_157 = tpu.memref_squeeze %dma_wait3A_156 : memref<1x1x1024xf32, #tpu.memory_space<hbm>> -> memref<1x1024xf32, #tpu.memory_space<hbm>>
      tpu.wait_dma2 semaphore(%arg5 : memref<!tpu.dma_semaphore, #tpu.memory_space<semaphore_mem>>) src(%dma_wait3A_157 : memref<1x1024xf32, #tpu.memory_space<hbm>>) dst(%dma_wait3A_154 : memref<1x1024xf32, #tpu.memory_space<hbm>>)
      %dma_wait3A_158 = arith.constant 7 : i32
      %dma_wait3A_159 = arith.constant 7 : i32
      %dma_wait3A_160 = arith.constant 0 : i32
      %dma_wait3A_161 = tpu.memref_slice %arg3[%dma_wait3A_159, %dma_wait3A_160] : memref<8x1024xf32, #tpu.memory_space<hbm>> -> memref<1x1024xf32, #tpu.memory_space<hbm>>
      %dma_wait3A_162 = arith.constant 0 : i32
      %dma_wait3A_163 = tpu.memref_slice %arg1[%dma_wait3A_158, %and3A_102, %dma_wait3A_162] : memref<8x4096x1024xf32, #tpu.memory_space<hbm>> -> memref<1x1x1024xf32, #tpu.memory_space<hbm>>
      %dma_wait3A_164 = tpu.memref_squeeze %dma_wait3A_163 : memref<1x1x1024xf32, #tpu.memory_space<hbm>> -> memref<1x1024xf32, #tpu.memory_space<hbm>>
      tpu.wait_dma2 semaphore(%arg5 : memref<!tpu.dma_semaphore, #tpu.memory_space<semaphore_mem>>) src(%dma_wait3A_164 : memref<1x1024xf32, #tpu.memory_space<hbm>>) dst(%dma_wait3A_161 : memref<1x1024xf32, #tpu.memory_space<hbm>>)
    } else {
    }
    return
  }
}

</mosaic_0001>

<sc_bundles>
// kernel: kernel.3.cloned.1.call-start
scs
__scs_entry_jumppad:
0x0: {  	(pc) =	sbr.rel $0x88, $3  }
0x1: {  	(tag) =	ssettag $0x0;
	lr =	simm.s32 $0x1  }
0x2: {  	[smem:$0x3F9F] =	sst lr;
	_ =	strace $0xD0000000  }
0x3: {  	_ = 	snop  }
0x4: {  	_ = 	snop  }
0x5: {  	_ = 	snop  }
0x6: {  	_ = 	snop  }
0x7: {  	_ = 	snop  }
__scs_overlays_trampoline_lowered:
0x8: {  	[smem:$0x3FAE] =	sst s0  }
0x9: {  	[smem:$0x3FAF] =	sst s1  }
0xa: {  	[smem:$0x3FB0] =	sst s2  }
0xb: {  	[smem:$0x3FB1] =	sst s3  }
0xc: {  	[smem:$0x3FB2] =	sst s4  }
0xd: {  	[smem:$0x3FB3] =	sst s5  }
0xe: {  	[smem:$0x3FB4] =	sst s6  }
0xf: {  	[smem:$0x3FB5] =	sst s7  }
0x10: {  	[smem:$0x3FB6] =	sst s8  }
0x11: {  	[smem:$0x3FB7] =	sst s9;
	s0 =	simm.s32 @!p0 $0x0  }
0x12: {  	s1 =	sld [smem:$0x3F9D];
	s0 =	simm.s32 @p0 $0x1  }
0x13: {  	[smem:$0x3FB8] =	sst s0;
	s0 =	simm.s32 @!p1 $0x0  }
0x14: {  	s2 =	sld [smem:$0x3F9C];
	s0 =	simm.s32 @p1 $0x1  }
0x15: {  	[smem:$0x3FB9] =	sst s0;
	s0 =	simm.s32 @!p2 $0x0  }
0x16: {  	s3 =	sld [smem:$0x3FDB];
	s0 =	simm.s32 @p2 $0x1  }
0x17: {  	s4 =	simm.s32 $0x1BF5;
	[smem:$0x3FBB] =	sst s0  }
0x18: {  	s0 =	sld [smem:$0x3F9E];
	_ =	swait.ge [sflag:s4], $0x0  }
0x19: {  	s7 =	sld [smem:$0x3F9F]  }
0x1a: {  	s8 =	sadd.s32 $0xFFFFE003, lr  }
0x1b: {  	s9 =	sadd.s32 $0xFFFFFEF7, lr;
	s5 =	simm.s32 $0xFFFFFFFF;
	p2 =	slt.u32 s8, $0xFFFFF086  }
0x1c: {  	p1 =	slt.u32 s9, $0xF7A;
	s5 =	simm.s32 @!p2 $0x0  }
0x1d: {  	s5 =	simm.s32 @p1 $0x1;
	p0 =	seq.s32 s7, s2  }
0x1e: {  	s7 =	smul.u32 @!p0 $0xF7A, s2;
	p2 =	seq.s32 @!p0 s5, $0x0  }
0x1f: {  	s9 =	smul.u32 $0xF7A, s1;
	s8 =	simm.s32 @!p0 $0x1BF5;
	p2 =	por !p2, p0  }
0x20: {  	[sflag:s8] =	ssyncset.s32 @!p0 $0xFFFFF086;
	s6 =	sadd.s32 @!p0 s3, s7;
	s7 =	simm.s32 @!p0 $0x108  }
0x21: {  	s3 =	sadd.s32 s3, s9;
	s6 =	sadd.s32 @!p0 $0x88, s6;
	s7 =	simm.s32 @p2 $0x1082  }
0x22: {  	[simem:s7], [sflag:s8] =	dma.local @!p0 [hbm:s6], $0xF7A  }
0x23: {  	s9 =	sor.u32 $0xD0000000, s2;
	s6 =	simm.s32 $0x108;
	_ =	swait.ge @!p0 [sflag:s8], $0x0  }
0x24: {  	s3 =	sadd.s32 $0x88, s3;
	s6 =	simm.s32 @!p1 $0x1082;
	[sflag:s4] =	ssyncset.s32 $0xFFFFF086  }
0x25: {  	[simem:s6], [sflag:s4] =	dma.local [hbm:s3], $0xF7A  }
0x26: {  	[smem:$0x3F9F] =	sst s1;
	(tag) =	ssettag s2;
	_ =	strace s9  }
0x27: {  	s1 =	sld [smem:$0x3FAF]  }
0x28: {  	s2 =	sld [smem:$0x3FB0]  }
0x29: {  	s4 =	sld [smem:$0x3FB2]  }
0x2a: {  	p0 =	seq.s32 s5, $0x0;
	s5 =	sld [smem:$0x3FB3]  }
0x2b: {  	s6 =	sld [smem:$0x3FB4]  }
0x2c: {  	s7 =	sld [smem:$0x3FB5]  }
0x2d: {  	s3 =	simm.s32 $0x108;
	s8 =	sld [smem:$0x3FB6]  }
0x2e: {  	s3 =	simm.s32 @!p0 $0x1082;
	s9 =	sld [smem:$0x3FB7]  }
0x2f: {  	lr =	sadd.s32 s0, s3;
	s0 =	sld [smem:$0x3FAE]  }
0x30: {  	s3 =	sld [smem:$0x3FB1]  }
0x31: {  	[smem:$0x3FBA] =	sst s10  }
0x32: {  	s10 =	sld [smem:$0x3FB8];
	_ =	sdelay $0x3  }
0x33: {  	p0 =	seq.s32 s10, $0x1;
	s10 =	sld [smem:$0x3FBA];
	_ =	sdelay $0x3  }
0x34: {  	[smem:$0x3FBA] =	sst s10  }
0x35: {  	s10 =	sld [smem:$0x3FB9];
	_ =	sdelay $0x3  }
0x36: {  	p1 =	seq.s32 s10, $0x1;
	s10 =	sld [smem:$0x3FBA];
	_ =	sdelay $0x3  }
0x37: {  	[smem:$0x3FBA] =	sst s10  }
0x38: {  	s10 =	sld [smem:$0x3FBB]  }
0x39: {  	_ = 	snop;
	(pc) =	sbr.ind lr, $3  }
0x3a: {  	_ = 	snop  }
0x3b: {  	_ = 	snop  }
0x3c: {  	p2 =	seq.s32 s10, $0x1;
	s10 =	sld [smem:$0x3FBA]  }
0x3d: {  	_ =	shalt  }
0x3e: {  	_ =	shalt  }
0x3f: {  	_ =	shalt  }
0x40: {  	_ =	shalt  }
0x41: {  	_ =	shalt  }
0x42: {  	_ =	shalt  }
0x43: {  	_ =	shalt  }
0x44: {  	_ =	shalt  }
0x45: {  	_ =	shalt  }
0x46: {  	_ =	shalt  }
0x47: {  	_ =	shalt  }
0x48: {  	_ =	shalt  }
0x49: {  	_ =	shalt  }
0x4a: {  	_ =	shalt  }
0x4b: {  	_ =	shalt  }
0x4c: {  	_ =	shalt  }
0x4d: {  	_ =	shalt  }
0x4e: {  	_ =	shalt  }
0x4f: {  	_ =	shalt  }
0x50: {  	_ =	shalt  }
0x51: {  	_ =	shalt  }
0x52: {  	_ =	shalt  }
0x53: {  	_ =	shalt  }
0x54: {  	_ =	shalt  }
0x55: {  	_ =	shalt  }
0x56: {  	_ =	shalt  }
0x57: {  	_ =	shalt  }
0x58: {  	_ =	shalt  }
0x59: {  	_ =	shalt  }
0x5a: {  	_ =	shalt  }
0x5b: {  	_ =	shalt  }
0x5c: {  	_ =	shalt  }
0x5d: {  	_ =	shalt  }
0x5e: {  	_ =	shalt  }
0x5f: {  	_ =	shalt  }
0x60: {  	_ =	shalt  }
0x61: {  	_ =	shalt  }
0x62: {  	_ =	shalt  }
0x63: {  	_ =	shalt  }
0x64: {  	_ =	shalt  }
0x65: {  	_ =	shalt  }
0x66: {  	_ =	shalt  }
0x67: {  	_ =	shalt  }
0x68: {  	_ =	shalt  }
0x69: {  	_ =	shalt  }
0x6a: {  	_ =	shalt  }
0x6b: {  	_ =	shalt  }
0x6c: {  	_ =	shalt  }
0x6d: {  	_ =	shalt  }
0x6e: {  	_ =	shalt  }
0x6f: {  	_ =	shalt  }
0x70: {  	_ =	shalt  }
0x71: {  	_ =	shalt  }
0x72: {  	_ =	shalt  }
0x73: {  	_ =	shalt  }
0x74: {  	_ =	shalt  }
0x75: {  	_ =	shalt  }
0x76: {  	_ =	shalt  }
0x77: {  	_ =	shalt  }
0x78: {  	_ =	shalt  }
0x79: {  	_ =	shalt  }
0x7a: {  	_ =	shalt  }
0x7b: {  	_ =	shalt  }
0x7c: {  	_ =	shalt  }
0x7d: {  	_ =	shalt  }
0x7e: {  	_ =	shalt  }
0x7f: {  	_ =	shalt  }
0x80: {  	_ =	shalt  }
0x81: {  	_ =	shalt  }
0x82: {  	_ =	shalt  }
0x83: {  	_ =	shalt  }
0x84: {  	_ =	shalt  }
0x85: {  	_ =	shalt  }
0x86: {  	_ =	shalt  }
0x87: {  	_ =	shalt  }
.Lfunc_end0:
.L_simem_size_0:
called_computation_lowered:
.L_overlay_start_0:
0x88: {  	s0 =	sld [smem:$0x3FD9]  }
0x89: {  	s1 =	sld [smem:$0x3FFE];
	_ =	sdelay $0x3  }
0x8a: {  	s0 =	sadd.s32 s1, s0  }
0x8b: {  	s3 =	simm.s32 $0x0;
	[smem:$0x3FC6] =	sst s0  }
0x8c: {  	[smem:$0xF] =	sst s3  }
0x8d: {  	s0 =	sld [smem:$0x3FC9]  }
0x8e: {  	s2 =	sld [smem:$0x3FC8]  }
0x8f: {  	s31 =	sld [smem:$0x3FD0];
	(tm) =	ssettm $0x1  }
0x90: {  	s6 =	sld [smem:$0x3FFB];
	_ =	sdelay $0x3  }
0x91: {  	_ =	strace s6  }
0x92: {  	s3 =	sld [smem:$0x3FFC];
	_ =	sdelay $0x3  }
0x93: {  	_ =	strace s3  }
0x94: {  	s3 =	sld [smem:$0x3FFD];
	_ =	sdelay $0x3  }
0x95: {  	_ =	strace s3  }
0x96: {  	s7 =	simm.s32 $0x1B8B;
	_ =	strace $0x8FFFFFFF  }
0x97: {  	_ =	swait.ge [sflag:s7], $0x1  }
0x98: {  	[sflag:s7] =	ssyncset.done $0x0  }
0x99: {  	s8 =	simm.s32 $0x1B8E;
	[sflag:s7] =	ssyncadd.s32 $0xFFFFFFFF  }
0x9a: {  	[smem:$0x3FD2] =	sst s8  }
0x9b: {  	s9 =	simm.s32 $0xA;
	s4 =	simm.s32 $0x10;
	_ =	strace $0x80000046  }
0x9c: {  	[smem:s4], [sflag:s9] =	dma.local [hbm:s2], $0x10  }
0x9d: {  	_ =	swait.ge [sflag:s9], $0x10  }
0x9e: {  	[sflag:s9] =	ssyncset.done $0x0  }
0x9f: {  	[sflag:s9] =	ssyncadd.s32 $0xFFFFFFF0  }
0xa0: {  	s10 =	sld [smem:$0x10];
	_ =	sdelay $0x3  }
0xa1: {  	s2 =	sadd.s32 $0xFFF, s10  }
0xa2: {  	s11 =	sshll.u32 s2, $0xA;
	s2 =	sshll.u32 s2, $0x7  }
0xa3: {  	s3 =	sand.u32 $0x3FE000, s11;
	s2 =	sand.u32 $0x380, s2  }
0xa4: {  	s2 =	sor.u32 s2, s3  }
0xa5: {  	s12 =	simm.s32 $0x1;
	s2 =	sshrl.u32 s2, $0x3  }
0xa6: {  	s13 =	simm.s32 $0x80;
	s14 =	simm.s32 $0x9;
	s5 =	sadd.s32 s0, s2  }
0xa7: {  	[hbm:s31@s13], [sflag:s14] =	dma.strided [hbm:s5@s13], $0x80, s12, $0x10   }
0xa8: {  	s5 =	sld [smem:$0x11];
	_ =	sdelay $0x3  }
0xa9: {  	s5 =	sadd.s32 $0xFFF, s5  }
0xaa: {  	s6 =	sshll.u32 s5, $0xA;
	s5 =	sshll.u32 s5, $0x7  }
0xab: {  	s6 =	sand.u32 $0x3FE000, s6;
	s5 =	sand.u32 $0x380, s5  }
0xac: {  	s5 =	sor.u32 s5, s6  }
0xad: {  	s5 =	sshrl.u32 s5, $0x3  }
0xae: {  	s5 =	sadd.s32 s5, s0  }
0xaf: {  	s15 =	sadd.s32 $0x10, s31;
	s5 =	sadd.s32 $0x80000, s5  }
0xb0: {  	[hbm:s15@s13], [sflag:s14] =	dma.strided [hbm:s5@s13], $0x80, s12, $0x10   }
0xb1: {  	s5 =	sld [smem:$0x12];
	_ =	sdelay $0x3  }
0xb2: {  	s5 =	sadd.s32 $0xFFF, s5  }
0xb3: {  	s16 =	sshll.u32 s5, $0xA;
	s5 =	sshll.u32 s5, $0x7  }
0xb4: {  	s6 =	sand.u32 $0x3FE000, s16;
	s5 =	sand.u32 $0x380, s5  }
0xb5: {  	s5 =	sor.u32 s5, s6  }
0xb6: {  	s5 =	sshrl.u32 s5, $0x3  }
0xb7: {  	s5 =	sadd.s32 s5, s0  }
0xb8: {  	s17 =	sadd.s32 $0x20, s31;
	s5 =	sadd.s32 $0x100000, s5  }
0xb9: {  	[hbm:s17@s13], [sflag:s14] =	dma.strided [hbm:s5@s13], $0x80, s12, $0x10   }
0xba: {  	s5 =	sld [smem:$0x13];
	_ =	sdelay $0x3  }
0xbb: {  	s5 =	sadd.s32 $0xFFF, s5  }
0xbc: {  	s18 =	sshll.u32 s5, $0xA;
	s5 =	sshll.u32 s5, $0x7  }
0xbd: {  	s6 =	sand.u32 $0x3FE000, s18;
	s5 =	sand.u32 $0x380, s5  }
0xbe: {  	s5 =	sor.u32 s5, s6  }
0xbf: {  	s5 =	sshrl.u32 s5, $0x3  }
0xc0: {  	s5 =	sadd.s32 s5, s0  }
0xc1: {  	s19 =	sadd.s32 $0x30, s31;
	s5 =	sadd.s32 $0x180000, s5  }
0xc2: {  	[hbm:s19@s13], [sflag:s14] =	dma.strided [hbm:s5@s13], $0x80, s12, $0x10   }
0xc3: {  	s5 =	sld [smem:$0x14];
	_ =	sdelay $0x3  }
0xc4: {  	s5 =	sadd.s32 $0xFFF, s5  }
0xc5: {  	s20 =	sshll.u32 s5, $0xA;
	s5 =	sshll.u32 s5, $0x7  }
0xc6: {  	s6 =	sand.u32 $0x3FE000, s20;
	s5 =	sand.u32 $0x380, s5  }
0xc7: {  	s5 =	sor.u32 s5, s6  }
0xc8: {  	s5 =	sshrl.u32 s5, $0x3  }
0xc9: {  	s5 =	sadd.s32 s5, s0  }
0xca: {  	s21 =	sadd.s32 $0x40, s31;
	s5 =	sadd.s32 $0x200000, s5  }
0xcb: {  	[hbm:s21@s13], [sflag:s14] =	dma.strided [hbm:s5@s13], $0x80, s12, $0x10   }
0xcc: {  	s5 =	sld [smem:$0x15];
	_ =	sdelay $0x3  }
0xcd: {  	s5 =	sadd.s32 $0xFFF, s5  }
0xce: {  	s22 =	sshll.u32 s5, $0xA;
	s5 =	sshll.u32 s5, $0x7  }
0xcf: {  	s6 =	sand.u32 $0x3FE000, s22;
	s5 =	sand.u32 $0x380, s5  }
0xd0: {  	s5 =	sor.u32 s5, s6  }
0xd1: {  	s5 =	sshrl.u32 s5, $0x3  }
0xd2: {  	s5 =	sadd.s32 s5, s0  }
0xd3: {  	s23 =	sadd.s32 $0x50, s31;
	s5 =	sadd.s32 $0x280000, s5  }
0xd4: {  	[hbm:s23@s13], [sflag:s14] =	dma.strided [hbm:s5@s13], $0x80, s12, $0x10   }
0xd5: {  	s5 =	sld [smem:$0x16];
	_ =	sdelay $0x3  }
0xd6: {  	s5 =	sadd.s32 $0xFFF, s5  }
0xd7: {  	s24 =	sshll.u32 s5, $0xA;
	s5 =	sshll.u32 s5, $0x7  }
0xd8: {  	s6 =	sand.u32 $0x3FE000, s24;
	s5 =	sand.u32 $0x380, s5  }
0xd9: {  	s5 =	sor.u32 s5, s6  }
0xda: {  	s5 =	sshrl.u32 s5, $0x3  }
0xdb: {  	s5 =	sadd.s32 s5, s0  }
0xdc: {  	s25 =	sadd.s32 $0x60, s31;
	s5 =	sadd.s32 $0x300000, s5  }
0xdd: {  	[hbm:s25@s13], [sflag:s14] =	dma.strided [hbm:s5@s13], $0x80, s12, $0x10   }
0xde: {  	s5 =	sld [smem:$0x17];
	_ =	sdelay $0x3  }
0xdf: {  	s5 =	sadd.s32 $0xFFF, s5  }
0xe0: {  	s26 =	sshll.u32 s5, $0xA;
	s5 =	sshll.u32 s5, $0x7  }
0xe1: {  	s6 =	sand.u32 $0x3FE000, s26;
	s5 =	sand.u32 $0x380, s5  }
0xe2: {  	s5 =	sor.u32 s5, s6  }
0xe3: {  	s5 =	sshrl.u32 s5, $0x3  }
0xe4: {  	s0 =	sadd.s32 s5, s0  }
0xe5: {  	s1 =	sadd.s32 $0x70, s31;
	s0 =	sadd.s32 $0x380000, s0  }
0xe6: {  	[hbm:s1@s13], [sflag:s14] =	dma.strided [hbm:s0@s13], $0x80, s12, $0x10   }
0xe7: {  	_ =	swait.ge [sflag:s14], $0x80  }
0xe8: {  	[sflag:s14] =	ssyncset.done $0x0  }
0xe9: {  	[sflag:s14] =	ssyncadd.s32 $0xFFFFFF80;
	_ =	sdelay $0x2  }
0xea: {  	_ =	swait.ge [sflag:s14], $0x80  }
0xeb: {  	[sflag:s14] =	ssyncset.done $0x0  }
0xec: {  	[sflag:s14] =	ssyncadd.s32 $0xFFFFFF80;
	_ =	sdelay $0x2  }
0xed: {  	_ =	swait.ge [sflag:s14], $0x80  }
0xee: {  	[sflag:s14] =	ssyncset.done $0x0  }
0xef: {  	[sflag:s14] =	ssyncadd.s32 $0xFFFFFF80;
	_ =	sdelay $0x2  }
0xf0: {  	_ =	swait.ge [sflag:s14], $0x80  }
0xf1: {  	[sflag:s14] =	ssyncset.done $0x0  }
0xf2: {  	[sflag:s14] =	ssyncadd.s32 $0xFFFFFF80;
	_ =	sdelay $0x2  }
0xf3: {  	_ =	swait.ge [sflag:s14], $0x80  }
0xf4: {  	[sflag:s14] =	ssyncset.done $0x0  }
0xf5: {  	[sflag:s14] =	ssyncadd.s32 $0xFFFFFF80;
	_ =	sdelay $0x2  }
0xf6: {  	_ =	swait.ge [sflag:s14], $0x80  }
0xf7: {  	[sflag:s14] =	ssyncset.done $0x0  }
0xf8: {  	[sflag:s14] =	ssyncadd.s32 $0xFFFFFF80;
	_ =	sdelay $0x2  }
0xf9: {  	_ =	swait.ge [sflag:s14], $0x80  }
0xfa: {  	[sflag:s14] =	ssyncset.done $0x0  }
0xfb: {  	[sflag:s14] =	ssyncadd.s32 $0xFFFFFF80;
	_ =	sdelay $0x2  }
0xfc: {  	_ =	swait.ge [sflag:s14], $0x80  }
0xfd: {  	[sflag:s14] =	ssyncset.done $0x0  }
0xfe: {  	[sflag:s14] =	ssyncadd.s32 $0xFFFFFF80  }
0xff: {  	_ =	strace $0x90000046  }
0x100: {  	_ =	sfence  }
0x101: {  	s28 =	sld [smem:$0x0];
	_ =	sdelay $0x1  }
0x102: {  	s29 =	srdreg.scid  }
0x103: {  	s30 =	sshll.u32 s29, $0xD;
	s31 =	sshrl.u32 s29, $0x2  }
0x104: {  	s2 =	sand.u32 $0x4000, s30;
	s1 =	sand.u32 $0x1, s29;
	s0 =	sadd.s32 s31, s28  }
0x105: {  	s1 =	sor.u32 s2, s1;
	s0 =	sshll.u32 s0, $0x11  }
0x106: {  	s0 =	sor.u32 s0, s1  }
0x107: {  	s0 =	sadd.s32 $0x8F2B, s0;
	(pc) =	sbr.abs _section_cstart, $3  }
0x108: {  	[sflag:s0] =	ssyncadd.remote.s32 $0x1  }
0x109: {  	_ =	strace $0x9FFFFFFF  }
0x10a: {  	(tm) =	ssettm $0x7FFFFFFF  }
0x10b: {  	_ =	shalt  }

</sc_bundles>
